<compile_context>
chip_gen: v7x
topology: tpu7x:2x2x1
jax: 0.10.2.dev20260603
libtpu: 0.0.44.dev20260713+nightly
codegen_flags: <defaults>
</compile_context>

<pallas_src>
import functools

import jax
import jax.numpy as jnp
from jax import lax
from jax.experimental import pallas as pl
from jax.experimental.pallas import tpu as pltpu
from jax.experimental.pallas import tpu_sc as plsc

_N = 16384
_D = 2048
_NW = 32
_PIECE = 16
_NBUF = 3
_LA = 2


def _sc_copy(x_hbm, y_hbm, out_hbm, bufs, in_sems, out_sems):
    wid = lax.axis_index("s") * 2 + lax.axis_index("c")
    rows_per_w = _N // _NW
    base = wid * rows_per_w
    n_pieces = rows_per_w // _PIECE

    def in_cp(p, slot):
        return pltpu.make_async_copy(
            y_hbm.at[pl.ds(base + p * _PIECE, _PIECE), :], bufs.at[slot],
            in_sems.at[slot])

    def out_cp(p, slot):
        return pltpu.make_async_copy(
            bufs.at[slot], out_hbm.at[pl.ds(base + p * _PIECE, _PIECE), :],
            out_sems.at[slot])

    for i in range(_LA):
        in_cp(i, i).start()

    def body(p, _):
        slot = lax.rem(p, _NBUF)
        in_cp(p, slot).wait()
        out_cp(p, slot).start()

        j = p + _LA
        jslot = lax.rem(j, _NBUF)

        @pl.when(j < n_pieces)
        def _prefetch():
            @pl.when(j >= _NBUF)
            def _slot_free():
                out_cp(j - _NBUF, jslot).wait()
            in_cp(j, jslot).start()
        return _

    lax.fori_loop(0, n_pieces, body, 0)

    def drain(p, _):
        @pl.when(p >= n_pieces - _NBUF)
        def _w():
            out_cp(p, lax.rem(p, _NBUF)).wait()
        return _
    lax.fori_loop(n_pieces - _NBUF, n_pieces, drain, 0)


def kernel(x, y):
    n, d = y.shape
    mesh = plsc.VectorSubcoreMesh(core_axis_name="c", subcore_axis_name="s")
    k = functools.partial(
        pl.kernel,
        out_type=jax.ShapeDtypeStruct((n, d), y.dtype),
        mesh=mesh,
        scratch_types=[
            pltpu.VMEM((_NBUF, _PIECE, _D), jnp.float32),
            pltpu.SemaphoreType.DMA((_NBUF,)),
            pltpu.SemaphoreType.DMA((_NBUF,)),
        ],
    )(_sc_copy)
    return k(x.astype(jnp.int32), y)

# --- scband reference (transcript-rebuilt; emitter-appended) ---
"""Pipeline reference for scband-discrete-selector-transform-63917703299837 (READ-ONLY COPY).

The authoritative reference and input builder live on the scoring server;
editing this copy changes nothing except your own understanding.
"""

import jax, jax.numpy as jnp
import numpy as np

K = 8  # number of flows in the ModuleList (all IdentityTransform)

def setup_inputs(seed: int = 0) -> dict:
    key = jax.random.key(seed)
    k1, k2 = jax.random.split(key)
    # integer expert/flow labels in {0,...,K-1}, one per token
    x = jax.random.randint(k1, (16384,), 0, K)
    # token features: (batch*seq, d_model) = (4*4096, 2048)
    y = jax.random.normal(k2, (16384, 2048), dtype=jnp.float32)
    return {"x": x, "y": y}

def reference(x, y):
    # DiscreteSelectorTransform(flows)(x).forward(y) with all flows = IdentityTransform.
    # Faithful translation of SelectedBijector.forward:
    #   u_out = zeros_like(y)
    #   for k in range(K): mask = (x_flat == k); u_out[mask] = flows[k].forward(y[mask])
    # IdentityTransform.forward(y_k) = y_k, so each masked block is scattered back unchanged.
    x_flat = x.reshape(-1).astype(jnp.int64)
    u_out = jnp.zeros_like(y)
    for k in range(K):
        mask = (x_flat == k)
        # gather rows for expert k, apply identity flow, scatter-overwrite back
        u_k = y  # IdentityTransform.forward
        u_out = jnp.where(mask[:, None], u_k, u_out)
    return u_out

if __name__ == "__main__":
    import jax
    _d = setup_inputs()
    print(jax.jit(kernel)(*tuple(_d.values())))

</pallas_src>

<mosaic_0001>
#map = affine_map<(d0, d1) -> (0)>
#map1 = affine_map<(d0, d1) -> (0, 0)>
module attributes {stable_mosaic.version = 14 : i64} {
  func.func @_sc_copy(%arg0: i32, %arg1: i32, %arg2: memref<16384xi32, #tpu.memory_space<hbm>>, %arg3: memref<16384x2048xf32, #tpu.memory_space<hbm>>, %arg4: memref<16384x2048xf32, #tpu.memory_space<hbm>>, %arg5: memref<3x16x2048xf32, #tpu.memory_space<vmem>>, %arg6: memref<3x!tpu.dma_semaphore, #tpu.memory_space<semaphore_mem>>, %arg7: memref<3x!tpu.dma_semaphore, #tpu.memory_space<semaphore_mem>>) attributes {dimension_semantics = [#tpu.dimension_semantics<core_parallel>, #tpu.dimension_semantics<subcore_parallel>], iteration_bounds = array<i64: 2, 16>, scalar_prefetch = 0 : i64, scratch_operands = 3 : i64, tpu.core_type = #tpu.core_type<sc_vector_subcore>, window_params = [{transform_indices = #map}, {transform_indices = #map1}, {transform_indices = #map1}]} {
    %mul3A = arith.constant 2 : i32
    %mul3A_0 = arith.muli %arg1, %mul3A : i32
    %add3A = arith.addi %mul3A_0, %arg0 : i32
    %mul3A_1 = arith.constant 512 : i32
    %mul3A_2 = arith.muli %add3A, %mul3A_1 : i32
    %add3A_3 = arith.constant 0 : i32
    %add3A_4 = arith.addi %mul3A_2, %add3A_3 : i32
    %dma_start3A = arith.constant 0 : i32
    %dma_start3A_5 = arith.constant 0 : i32
    %dma_start3A_6 = arith.constant 0 : i32
    %dma_start3A_7 = arith.constant 0 : i32
    %dma_start3A_8 = tpu.memref_slice %arg5[%dma_start3A, %dma_start3A_6, %dma_start3A_7] : memref<3x16x2048xf32, #tpu.memory_space<vmem>> -> memref<1x16x2048xf32, #tpu.memory_space<vmem>>
    %dma_start3A_9 = tpu.memref_squeeze %dma_start3A_8 : memref<1x16x2048xf32, #tpu.memory_space<vmem>> -> memref<16x2048xf32, #tpu.memory_space<vmem>>
    %dma_start3A_10 = arith.constant 0 : i32
    %dma_start3A_11 = tpu.memref_slice %arg3[%add3A_4, %dma_start3A_10] : memref<16384x2048xf32, #tpu.memory_space<hbm>> -> memref<16x2048xf32, #tpu.memory_space<hbm>>
    %dma_start3A_12 = tpu.memref_slice %arg6[%dma_start3A_5] : memref<3x!tpu.dma_semaphore, #tpu.memory_space<semaphore_mem>> -> memref<1x!tpu.dma_semaphore, #tpu.memory_space<semaphore_mem>>
    %dma_start3A_13 = tpu.memref_squeeze %dma_start3A_12 : memref<1x!tpu.dma_semaphore, #tpu.memory_space<semaphore_mem>> -> memref<!tpu.dma_semaphore, #tpu.memory_space<semaphore_mem>>
    %dma_start3A_14 = arith.constant 0 : i32
    %dma_start3A_15 = arith.constant 0 : i32
    %dma_start3A_16 = tpu.memref_slice %arg5[%dma_start3A, %dma_start3A_14, %dma_start3A_15] : memref<3x16x2048xf32, #tpu.memory_space<vmem>> -> memref<1x16x2048xf32, #tpu.memory_space<vmem>>
    %dma_start3A_17 = tpu.memref_squeeze %dma_start3A_16 : memref<1x16x2048xf32, #tpu.memory_space<vmem>> -> memref<16x2048xf32, #tpu.memory_space<vmem>>
    %dma_start3A_18 = arith.constant 0 : i32
    %dma_start3A_19 = tpu.memref_slice %arg3[%add3A_4, %dma_start3A_18] : memref<16384x2048xf32, #tpu.memory_space<hbm>> -> memref<16x2048xf32, #tpu.memory_space<hbm>>
    tpu.enqueue_dma source(%dma_start3A_19 : memref<16x2048xf32, #tpu.memory_space<hbm>>) target(%dma_start3A_17 : memref<16x2048xf32, #tpu.memory_space<vmem>>) target_semaphore(%dma_start3A_13 : memref<!tpu.dma_semaphore, #tpu.memory_space<semaphore_mem>>)
    %add3A_20 = arith.constant 16 : i32
    %add3A_21 = arith.addi %mul3A_2, %add3A_20 : i32
    %dma_start3A_22 = arith.constant 1 : i32
    %dma_start3A_23 = arith.constant 1 : i32
    %dma_start3A_24 = arith.constant 0 : i32
    %dma_start3A_25 = arith.constant 0 : i32
    %dma_start3A_26 = tpu.memref_slice %arg5[%dma_start3A_22, %dma_start3A_24, %dma_start3A_25] : memref<3x16x2048xf32, #tpu.memory_space<vmem>> -> memref<1x16x2048xf32, #tpu.memory_space<vmem>>
    %dma_start3A_27 = tpu.memref_squeeze %dma_start3A_26 : memref<1x16x2048xf32, #tpu.memory_space<vmem>> -> memref<16x2048xf32, #tpu.memory_space<vmem>>
    %dma_start3A_28 = arith.constant 0 : i32
    %dma_start3A_29 = tpu.memref_slice %arg3[%add3A_21, %dma_start3A_28] : memref<16384x2048xf32, #tpu.memory_space<hbm>> -> memref<16x2048xf32, #tpu.memory_space<hbm>>
    %dma_start3A_30 = tpu.memref_slice %arg6[%dma_start3A_23] : memref<3x!tpu.dma_semaphore, #tpu.memory_space<semaphore_mem>> -> memref<1x!tpu.dma_semaphore, #tpu.memory_space<semaphore_mem>>
    %dma_start3A_31 = tpu.memref_squeeze %dma_start3A_30 : memref<1x!tpu.dma_semaphore, #tpu.memory_space<semaphore_mem>> -> memref<!tpu.dma_semaphore, #tpu.memory_space<semaphore_mem>>
    %dma_start3A_32 = arith.constant 0 : i32
    %dma_start3A_33 = arith.constant 0 : i32
    %dma_start3A_34 = tpu.memref_slice %arg5[%dma_start3A_22, %dma_start3A_32, %dma_start3A_33] : memref<3x16x2048xf32, #tpu.memory_space<vmem>> -> memref<1x16x2048xf32, #tpu.memory_space<vmem>>
    %dma_start3A_35 = tpu.memref_squeeze %dma_start3A_34 : memref<1x16x2048xf32, #tpu.memory_space<vmem>> -> memref<16x2048xf32, #tpu.memory_space<vmem>>
    %dma_start3A_36 = arith.constant 0 : i32
    %dma_start3A_37 = tpu.memref_slice %arg3[%add3A_21, %dma_start3A_36] : memref<16384x2048xf32, #tpu.memory_space<hbm>> -> memref<16x2048xf32, #tpu.memory_space<hbm>>
    tpu.enqueue_dma source(%dma_start3A_37 : memref<16x2048xf32, #tpu.memory_space<hbm>>) target(%dma_start3A_35 : memref<16x2048xf32, #tpu.memory_space<vmem>>) target_semaphore(%dma_start3A_31 : memref<!tpu.dma_semaphore, #tpu.memory_space<semaphore_mem>>)
    %scan3A = arith.constant 0 : i32
    %scan3A_38 = arith.constant 0 : i32
    %scan3A_39 = arith.constant 32 : i32
    %scan3A_40 = arith.addi %scan3A_38, %scan3A_39 : i32
    %scan3A_41 = arith.constant 1 : i32
    scf.for %scan3A_49 = %scan3A_38 to %scan3A_40 step %scan3A_41  : i32 {
      %rem3A = arith.constant 3 : i32
      %rem3A_50 = arith.remsi %scan3A_49, %rem3A : i32
      %mul3A_51 = arith.constant 16 : i32
      %mul3A_52 = arith.muli %scan3A_49, %mul3A_51 : i32
      %add3A_53 = arith.addi %mul3A_2, %mul3A_52 : i32
      %dma_wait3A = arith.constant 0 : i32
      %dma_wait3A_54 = arith.constant 0 : i32
      %dma_wait3A_55 = tpu.memref_slice %arg5[%rem3A_50, %dma_wait3A, %dma_wait3A_54] : memref<3x16x2048xf32, #tpu.memory_space<vmem>> -> memref<1x16x2048xf32, #tpu.memory_space<vmem>>
      %dma_wait3A_56 = tpu.memref_squeeze %dma_wait3A_55 : memref<1x16x2048xf32, #tpu.memory_space<vmem>> -> memref<16x2048xf32, #tpu.memory_space<vmem>>
      %dma_wait3A_57 = arith.constant 0 : i32
      %dma_wait3A_58 = tpu.memref_slice %arg3[%add3A_53, %dma_wait3A_57] : memref<16384x2048xf32, #tpu.memory_space<hbm>> -> memref<16x2048xf32, #tpu.memory_space<hbm>>
      %dma_wait3A_59 = tpu.memref_slice %arg6[%rem3A_50] : memref<3x!tpu.dma_semaphore, #tpu.memory_space<semaphore_mem>> -> memref<1x!tpu.dma_semaphore, #tpu.memory_space<semaphore_mem>>
      %dma_wait3A_60 = tpu.memref_squeeze %dma_wait3A_59 : memref<1x!tpu.dma_semaphore, #tpu.memory_space<semaphore_mem>> -> memref<!tpu.dma_semaphore, #tpu.memory_space<semaphore_mem>>
      %dma_wait3A_61 = arith.constant 0 : i32
      %dma_wait3A_62 = arith.constant 0 : i32
      %dma_wait3A_63 = tpu.memref_slice %arg5[%rem3A_50, %dma_wait3A_61, %dma_wait3A_62] : memref<3x16x2048xf32, #tpu.memory_space<vmem>> -> memref<1x16x2048xf32, #tpu.memory_space<vmem>>
      %dma_wait3A_64 = tpu.memref_squeeze %dma_wait3A_63 : memref<1x16x2048xf32, #tpu.memory_space<vmem>> -> memref<16x2048xf32, #tpu.memory_space<vmem>>
      %dma_wait3A_65 = arith.constant 0 : i32
      %dma_wait3A_66 = tpu.memref_slice %arg3[%add3A_53, %dma_wait3A_65] : memref<16384x2048xf32, #tpu.memory_space<hbm>> -> memref<16x2048xf32, #tpu.memory_space<hbm>>
      tpu.wait_dma2 semaphore(%dma_wait3A_60 : memref<!tpu.dma_semaphore, #tpu.memory_space<semaphore_mem>>) src(%dma_wait3A_66 : memref<16x2048xf32, #tpu.memory_space<hbm>>) dst(%dma_wait3A_64 : memref<16x2048xf32, #tpu.memory_space<vmem>>)
      %mul3A_67 = arith.constant 16 : i32
      %mul3A_68 = arith.muli %scan3A_49, %mul3A_67 : i32
      %add3A_69 = arith.addi %mul3A_2, %mul3A_68 : i32
      %dma_start3A_70 = arith.constant 0 : i32
      %dma_start3A_71 = arith.constant 0 : i32
      %dma_start3A_72 = tpu.memref_slice %arg5[%rem3A_50, %dma_start3A_70, %dma_start3A_71] : memref<3x16x2048xf32, #tpu.memory_space<vmem>> -> memref<1x16x2048xf32, #tpu.memory_space<vmem>>
      %dma_start3A_73 = tpu.memref_squeeze %dma_start3A_72 : memref<1x16x2048xf32, #tpu.memory_space<vmem>> -> memref<16x2048xf32, #tpu.memory_space<vmem>>
      %dma_start3A_74 = arith.constant 0 : i32
      %dma_start3A_75 = tpu.memref_slice %arg4[%add3A_69, %dma_start3A_74] : memref<16384x2048xf32, #tpu.memory_space<hbm>> -> memref<16x2048xf32, #tpu.memory_space<hbm>>
      %dma_start3A_76 = tpu.memref_slice %arg7[%rem3A_50] : memref<3x!tpu.dma_semaphore, #tpu.memory_space<semaphore_mem>> -> memref<1x!tpu.dma_semaphore, #tpu.memory_space<semaphore_mem>>
      %dma_start3A_77 = tpu.memref_squeeze %dma_start3A_76 : memref<1x!tpu.dma_semaphore, #tpu.memory_space<semaphore_mem>> -> memref<!tpu.dma_semaphore, #tpu.memory_space<semaphore_mem>>
      %dma_start3A_78 = arith.constant 0 : i32
      %dma_start3A_79 = tpu.memref_slice %arg4[%add3A_69, %dma_start3A_78] : memref<16384x2048xf32, #tpu.memory_space<hbm>> -> memref<16x2048xf32, #tpu.memory_space<hbm>>
      %dma_start3A_80 = arith.constant 0 : i32
      %dma_start3A_81 = arith.constant 0 : i32
      %dma_start3A_82 = tpu.memref_slice %arg5[%rem3A_50, %dma_start3A_80, %dma_start3A_81] : memref<3x16x2048xf32, #tpu.memory_space<vmem>> -> memref<1x16x2048xf32, #tpu.memory_space<vmem>>
      %dma_start3A_83 = tpu.memref_squeeze %dma_start3A_82 : memref<1x16x2048xf32, #tpu.memory_space<vmem>> -> memref<16x2048xf32, #tpu.memory_space<vmem>>
      tpu.enqueue_dma source(%dma_start3A_83 : memref<16x2048xf32, #tpu.memory_space<vmem>>) target(%dma_start3A_79 : memref<16x2048xf32, #tpu.memory_space<hbm>>) target_semaphore(%dma_start3A_77 : memref<!tpu.dma_semaphore, #tpu.memory_space<semaphore_mem>>)
      %add3A_84 = arith.constant 2 : i32
      %add3A_85 = arith.addi %scan3A_49, %add3A_84 : i32
      %rem3A_86 = arith.constant 3 : i32
      %rem3A_87 = arith.remsi %add3A_85, %rem3A_86 : i32
      %lt3A = arith.constant 32 : i32
      %lt3A_88 = arith.cmpi slt, %add3A_85, %lt3A : i32
      %convert_element_type3A = arith.extui %lt3A_88 : i1 to i32
      %cond3A = arith.constant 0 : i32
      %cond3A_89 = arith.cmpi ne, %convert_element_type3A, %cond3A : i32
      scf.if %cond3A_89 {
        %ge3A = arith.constant 3 : i32
        %ge3A_90 = arith.cmpi sge, %add3A_85, %ge3A : i32
        %convert_element_type3A_91 = arith.extui %ge3A_90 : i1 to i32
        %cond3A_92 = arith.constant 0 : i32
        %cond3A_93 = arith.cmpi ne, %convert_element_type3A_91, %cond3A_92 : i32
        scf.if %cond3A_93 {
          %sub3A = arith.constant 3 : i32
          %sub3A_111 = arith.subi %add3A_85, %sub3A : i32
          %mul3A_112 = arith.constant 16 : i32
          %mul3A_113 = arith.muli %sub3A_111, %mul3A_112 : i32
          %add3A_114 = arith.addi %mul3A_2, %mul3A_113 : i32
          %dma_wait3A_115 = arith.constant 0 : i32
          %dma_wait3A_116 = arith.constant 0 : i32
          %dma_wait3A_117 = tpu.memref_slice %arg5[%rem3A_87, %dma_wait3A_115, %dma_wait3A_116] : memref<3x16x2048xf32, #tpu.memory_space<vmem>> -> memref<1x16x2048xf32, #tpu.memory_space<vmem>>
          %dma_wait3A_118 = tpu.memref_squeeze %dma_wait3A_117 : memref<1x16x2048xf32, #tpu.memory_space<vmem>> -> memref<16x2048xf32, #tpu.memory_space<vmem>>
          %dma_wait3A_119 = arith.constant 0 : i32
          %dma_wait3A_120 = tpu.memref_slice %arg4[%add3A_114, %dma_wait3A_119] : memref<16384x2048xf32, #tpu.memory_space<hbm>> -> memref<16x2048xf32, #tpu.memory_space<hbm>>
          %dma_wait3A_121 = tpu.memref_slice %arg7[%rem3A_87] : memref<3x!tpu.dma_semaphore, #tpu.memory_space<semaphore_mem>> -> memref<1x!tpu.dma_semaphore, #tpu.memory_space<semaphore_mem>>
          %dma_wait3A_122 = tpu.memref_squeeze %dma_wait3A_121 : memref<1x!tpu.dma_semaphore, #tpu.memory_space<semaphore_mem>> -> memref<!tpu.dma_semaphore, #tpu.memory_space<semaphore_mem>>
          %dma_wait3A_123 = arith.constant 0 : i32
          %dma_wait3A_124 = tpu.memref_slice %arg4[%add3A_114, %dma_wait3A_123] : memref<16384x2048xf32, #tpu.memory_space<hbm>> -> memref<16x2048xf32, #tpu.memory_space<hbm>>
          %dma_wait3A_125 = arith.constant 0 : i32
          %dma_wait3A_126 = arith.constant 0 : i32
          %dma_wait3A_127 = tpu.memref_slice %arg5[%rem3A_87, %dma_wait3A_125, %dma_wait3A_126] : memref<3x16x2048xf32, #tpu.memory_space<vmem>> -> memref<1x16x2048xf32, #tpu.memory_space<vmem>>
          %dma_wait3A_128 = tpu.memref_squeeze %dma_wait3A_127 : memref<1x16x2048xf32, #tpu.memory_space<vmem>> -> memref<16x2048xf32, #tpu.memory_space<vmem>>
          tpu.wait_dma2 semaphore(%dma_wait3A_122 : memref<!tpu.dma_semaphore, #tpu.memory_space<semaphore_mem>>) src(%dma_wait3A_128 : memref<16x2048xf32, #tpu.memory_space<vmem>>) dst(%dma_wait3A_124 : memref<16x2048xf32, #tpu.memory_space<hbm>>)
        } else {
        }
        %mul3A_94 = arith.constant 16 : i32
        %mul3A_95 = arith.muli %add3A_85, %mul3A_94 : i32
        %add3A_96 = arith.addi %mul3A_2, %mul3A_95 : i32
        %dma_start3A_97 = arith.constant 0 : i32
        %dma_start3A_98 = arith.constant 0 : i32
        %dma_start3A_99 = tpu.memref_slice %arg5[%rem3A_87, %dma_start3A_97, %dma_start3A_98] : memref<3x16x2048xf32, #tpu.memory_space<vmem>> -> memref<1x16x2048xf32, #tpu.memory_space<vmem>>
        %dma_start3A_100 = tpu.memref_squeeze %dma_start3A_99 : memref<1x16x2048xf32, #tpu.memory_space<vmem>> -> memref<16x2048xf32, #tpu.memory_space<vmem>>
        %dma_start3A_101 = arith.constant 0 : i32
        %dma_start3A_102 = tpu.memref_slice %arg3[%add3A_96, %dma_start3A_101] : memref<16384x2048xf32, #tpu.memory_space<hbm>> -> memref<16x2048xf32, #tpu.memory_space<hbm>>
        %dma_start3A_103 = tpu.memref_slice %arg6[%rem3A_87] : memref<3x!tpu.dma_semaphore, #tpu.memory_space<semaphore_mem>> -> memref<1x!tpu.dma_semaphore, #tpu.memory_space<semaphore_mem>>
        %dma_start3A_104 = tpu.memref_squeeze %dma_start3A_103 : memref<1x!tpu.dma_semaphore, #tpu.memory_space<semaphore_mem>> -> memref<!tpu.dma_semaphore, #tpu.memory_space<semaphore_mem>>
        %dma_start3A_105 = arith.constant 0 : i32
        %dma_start3A_106 = arith.constant 0 : i32
        %dma_start3A_107 = tpu.memref_slice %arg5[%rem3A_87, %dma_start3A_105, %dma_start3A_106] : memref<3x16x2048xf32, #tpu.memory_space<vmem>> -> memref<1x16x2048xf32, #tpu.memory_space<vmem>>
        %dma_start3A_108 = tpu.memref_squeeze %dma_start3A_107 : memref<1x16x2048xf32, #tpu.memory_space<vmem>> -> memref<16x2048xf32, #tpu.memory_space<vmem>>
        %dma_start3A_109 = arith.constant 0 : i32
        %dma_start3A_110 = tpu.memref_slice %arg3[%add3A_96, %dma_start3A_109] : memref<16384x2048xf32, #tpu.memory_space<hbm>> -> memref<16x2048xf32, #tpu.memory_space<hbm>>
        tpu.enqueue_dma source(%dma_start3A_110 : memref<16x2048xf32, #tpu.memory_space<hbm>>) target(%dma_start3A_108 : memref<16x2048xf32, #tpu.memory_space<vmem>>) target_semaphore(%dma_start3A_104 : memref<!tpu.dma_semaphore, #tpu.memory_space<semaphore_mem>>)
      } else {
      }
    }
    %scan3A_42 = arith.constant 32 : i32
    %scan3A_43 = arith.constant 0 : i32
    %scan3A_44 = arith.constant 29 : i32
    %scan3A_45 = arith.constant 3 : i32
    %scan3A_46 = arith.addi %scan3A_44, %scan3A_45 : i32
    %scan3A_47 = arith.constant 1 : i32
    scf.for %scan3A_49 = %scan3A_44 to %scan3A_46 step %scan3A_47  : i32 {
      %ge3A = arith.constant 29 : i32
      %ge3A_50 = arith.cmpi sge, %scan3A_49, %ge3A : i32
      %convert_element_type3A = arith.extui %ge3A_50 : i1 to i32
      %cond3A = arith.constant 0 : i32
      %cond3A_51 = arith.cmpi ne, %convert_element_type3A, %cond3A : i32
      scf.if %cond3A_51 {
        %rem3A = arith.constant 3 : i32
        %rem3A_52 = arith.remsi %scan3A_49, %rem3A : i32
        %mul3A_53 = arith.constant 16 : i32
        %mul3A_54 = arith.muli %scan3A_49, %mul3A_53 : i32
        %add3A_55 = arith.addi %mul3A_2, %mul3A_54 : i32
        %dma_wait3A = arith.constant 0 : i32
        %dma_wait3A_56 = arith.constant 0 : i32
        %dma_wait3A_57 = tpu.memref_slice %arg5[%rem3A_52, %dma_wait3A, %dma_wait3A_56] : memref<3x16x2048xf32, #tpu.memory_space<vmem>> -> memref<1x16x2048xf32, #tpu.memory_space<vmem>>
        %dma_wait3A_58 = tpu.memref_squeeze %dma_wait3A_57 : memref<1x16x2048xf32, #tpu.memory_space<vmem>> -> memref<16x2048xf32, #tpu.memory_space<vmem>>
        %dma_wait3A_59 = arith.constant 0 : i32
        %dma_wait3A_60 = tpu.memref_slice %arg4[%add3A_55, %dma_wait3A_59] : memref<16384x2048xf32, #tpu.memory_space<hbm>> -> memref<16x2048xf32, #tpu.memory_space<hbm>>
        %dma_wait3A_61 = tpu.memref_slice %arg7[%rem3A_52] : memref<3x!tpu.dma_semaphore, #tpu.memory_space<semaphore_mem>> -> memref<1x!tpu.dma_semaphore, #tpu.memory_space<semaphore_mem>>
        %dma_wait3A_62 = tpu.memref_squeeze %dma_wait3A_61 : memref<1x!tpu.dma_semaphore, #tpu.memory_space<semaphore_mem>> -> memref<!tpu.dma_semaphore, #tpu.memory_space<semaphore_mem>>
        %dma_wait3A_63 = arith.constant 0 : i32
        %dma_wait3A_64 = tpu.memref_slice %arg4[%add3A_55, %dma_wait3A_63] : memref<16384x2048xf32, #tpu.memory_space<hbm>> -> memref<16x2048xf32, #tpu.memory_space<hbm>>
        %dma_wait3A_65 = arith.constant 0 : i32
        %dma_wait3A_66 = arith.constant 0 : i32
        %dma_wait3A_67 = tpu.memref_slice %arg5[%rem3A_52, %dma_wait3A_65, %dma_wait3A_66] : memref<3x16x2048xf32, #tpu.memory_space<vmem>> -> memref<1x16x2048xf32, #tpu.memory_space<vmem>>
        %dma_wait3A_68 = tpu.memref_squeeze %dma_wait3A_67 : memref<1x16x2048xf32, #tpu.memory_space<vmem>> -> memref<16x2048xf32, #tpu.memory_space<vmem>>
        tpu.wait_dma2 semaphore(%dma_wait3A_62 : memref<!tpu.dma_semaphore, #tpu.memory_space<semaphore_mem>>) src(%dma_wait3A_68 : memref<16x2048xf32, #tpu.memory_space<vmem>>) dst(%dma_wait3A_64 : memref<16x2048xf32, #tpu.memory_space<hbm>>)
      } else {
      }
    }
    %scan3A_48 = arith.constant 3 : i32
    return
  }
}

</mosaic_0001>

<sc_bundles>
// kernel: kernel.3.cloned.1.call-start
scs
__scs_entry_jumppad:
0x0: {  	(pc) =	sbr.rel $0x88, $3  }
0x1: {  	(tag) =	ssettag $0x0;
	lr =	simm.s32 $0x1  }
0x2: {  	[smem:$0x3F9F] =	sst lr;
	_ =	strace $0xD0000000  }
0x3: {  	_ = 	snop  }
0x4: {  	_ = 	snop  }
0x5: {  	_ = 	snop  }
0x6: {  	_ = 	snop  }
0x7: {  	_ = 	snop  }
__scs_overlays_trampoline_lowered:
0x8: {  	[smem:$0x3FAE] =	sst s0  }
0x9: {  	[smem:$0x3FAF] =	sst s1  }
0xa: {  	[smem:$0x3FB0] =	sst s2  }
0xb: {  	[smem:$0x3FB1] =	sst s3  }
0xc: {  	[smem:$0x3FB2] =	sst s4  }
0xd: {  	[smem:$0x3FB3] =	sst s5  }
0xe: {  	[smem:$0x3FB4] =	sst s6  }
0xf: {  	[smem:$0x3FB5] =	sst s7  }
0x10: {  	[smem:$0x3FB6] =	sst s8  }
0x11: {  	[smem:$0x3FB7] =	sst s9;
	s0 =	simm.s32 @!p0 $0x0  }
0x12: {  	s1 =	sld [smem:$0x3F9D];
	s0 =	simm.s32 @p0 $0x1  }
0x13: {  	[smem:$0x3FB8] =	sst s0;
	s0 =	simm.s32 @!p1 $0x0  }
0x14: {  	s2 =	sld [smem:$0x3F9C];
	s0 =	simm.s32 @p1 $0x1  }
0x15: {  	[smem:$0x3FB9] =	sst s0;
	s0 =	simm.s32 @!p2 $0x0  }
0x16: {  	s3 =	sld [smem:$0x3FDB];
	s0 =	simm.s32 @p2 $0x1  }
0x17: {  	s4 =	simm.s32 $0x1BF5;
	[smem:$0x3FBB] =	sst s0  }
0x18: {  	s0 =	sld [smem:$0x3F9E];
	_ =	swait.ge [sflag:s4], $0x0  }
0x19: {  	s7 =	sld [smem:$0x3F9F]  }
0x1a: {  	s8 =	sadd.s32 $0xFFFFE003, lr  }
0x1b: {  	s9 =	sadd.s32 $0xFFFFFEF7, lr;
	s5 =	simm.s32 $0xFFFFFFFF;
	p2 =	slt.u32 s8, $0xFFFFF086  }
0x1c: {  	p1 =	slt.u32 s9, $0xF7A;
	s5 =	simm.s32 @!p2 $0x0  }
0x1d: {  	s5 =	simm.s32 @p1 $0x1;
	p0 =	seq.s32 s7, s2  }
0x1e: {  	s7 =	smul.u32 @!p0 $0xF7A, s2;
	p2 =	seq.s32 @!p0 s5, $0x0  }
0x1f: {  	s9 =	smul.u32 $0xF7A, s1;
	s8 =	simm.s32 @!p0 $0x1BF5;
	p2 =	por !p2, p0  }
0x20: {  	[sflag:s8] =	ssyncset.s32 @!p0 $0xFFFFF086;
	s6 =	sadd.s32 @!p0 s3, s7;
	s7 =	simm.s32 @!p0 $0x108  }
0x21: {  	s3 =	sadd.s32 s3, s9;
	s6 =	sadd.s32 @!p0 $0x88, s6;
	s7 =	simm.s32 @p2 $0x1082  }
0x22: {  	[simem:s7], [sflag:s8] =	dma.local @!p0 [hbm:s6], $0xF7A  }
0x23: {  	s9 =	sor.u32 $0xD0000000, s2;
	s6 =	simm.s32 $0x108;
	_ =	swait.ge @!p0 [sflag:s8], $0x0  }
0x24: {  	s3 =	sadd.s32 $0x88, s3;
	s6 =	simm.s32 @!p1 $0x1082;
	[sflag:s4] =	ssyncset.s32 $0xFFFFF086  }
0x25: {  	[simem:s6], [sflag:s4] =	dma.local [hbm:s3], $0xF7A  }
0x26: {  	[smem:$0x3F9F] =	sst s1;
	(tag) =	ssettag s2;
	_ =	strace s9  }
0x27: {  	s1 =	sld [smem:$0x3FAF]  }
0x28: {  	s2 =	sld [smem:$0x3FB0]  }
0x29: {  	s4 =	sld [smem:$0x3FB2]  }
0x2a: {  	p0 =	seq.s32 s5, $0x0;
	s5 =	sld [smem:$0x3FB3]  }
0x2b: {  	s6 =	sld [smem:$0x3FB4]  }
0x2c: {  	s7 =	sld [smem:$0x3FB5]  }
0x2d: {  	s3 =	simm.s32 $0x108;
	s8 =	sld [smem:$0x3FB6]  }
0x2e: {  	s3 =	simm.s32 @!p0 $0x1082;
	s9 =	sld [smem:$0x3FB7]  }
0x2f: {  	lr =	sadd.s32 s0, s3;
	s0 =	sld [smem:$0x3FAE]  }
0x30: {  	s3 =	sld [smem:$0x3FB1]  }
0x31: {  	[smem:$0x3FBA] =	sst s10  }
0x32: {  	s10 =	sld [smem:$0x3FB8];
	_ =	sdelay $0x3  }
0x33: {  	p0 =	seq.s32 s10, $0x1;
	s10 =	sld [smem:$0x3FBA];
	_ =	sdelay $0x3  }
0x34: {  	[smem:$0x3FBA] =	sst s10  }
0x35: {  	s10 =	sld [smem:$0x3FB9];
	_ =	sdelay $0x3  }
0x36: {  	p1 =	seq.s32 s10, $0x1;
	s10 =	sld [smem:$0x3FBA];
	_ =	sdelay $0x3  }
0x37: {  	[smem:$0x3FBA] =	sst s10  }
0x38: {  	s10 =	sld [smem:$0x3FBB]  }
0x39: {  	_ = 	snop;
	(pc) =	sbr.ind lr, $3  }
0x3a: {  	_ = 	snop  }
0x3b: {  	_ = 	snop  }
0x3c: {  	p2 =	seq.s32 s10, $0x1;
	s10 =	sld [smem:$0x3FBA]  }
0x3d: {  	_ =	shalt  }
0x3e: {  	_ =	shalt  }
0x3f: {  	_ =	shalt  }
0x40: {  	_ =	shalt  }
0x41: {  	_ =	shalt  }
0x42: {  	_ =	shalt  }
0x43: {  	_ =	shalt  }
0x44: {  	_ =	shalt  }
0x45: {  	_ =	shalt  }
0x46: {  	_ =	shalt  }
0x47: {  	_ =	shalt  }
0x48: {  	_ =	shalt  }
0x49: {  	_ =	shalt  }
0x4a: {  	_ =	shalt  }
0x4b: {  	_ =	shalt  }
0x4c: {  	_ =	shalt  }
0x4d: {  	_ =	shalt  }
0x4e: {  	_ =	shalt  }
0x4f: {  	_ =	shalt  }
0x50: {  	_ =	shalt  }
0x51: {  	_ =	shalt  }
0x52: {  	_ =	shalt  }
0x53: {  	_ =	shalt  }
0x54: {  	_ =	shalt  }
0x55: {  	_ =	shalt  }
0x56: {  	_ =	shalt  }
0x57: {  	_ =	shalt  }
0x58: {  	_ =	shalt  }
0x59: {  	_ =	shalt  }
0x5a: {  	_ =	shalt  }
0x5b: {  	_ =	shalt  }
0x5c: {  	_ =	shalt  }
0x5d: {  	_ =	shalt  }
0x5e: {  	_ =	shalt  }
0x5f: {  	_ =	shalt  }
0x60: {  	_ =	shalt  }
0x61: {  	_ =	shalt  }
0x62: {  	_ =	shalt  }
0x63: {  	_ =	shalt  }
0x64: {  	_ =	shalt  }
0x65: {  	_ =	shalt  }
0x66: {  	_ =	shalt  }
0x67: {  	_ =	shalt  }
0x68: {  	_ =	shalt  }
0x69: {  	_ =	shalt  }
0x6a: {  	_ =	shalt  }
0x6b: {  	_ =	shalt  }
0x6c: {  	_ =	shalt  }
0x6d: {  	_ =	shalt  }
0x6e: {  	_ =	shalt  }
0x6f: {  	_ =	shalt  }
0x70: {  	_ =	shalt  }
0x71: {  	_ =	shalt  }
0x72: {  	_ =	shalt  }
0x73: {  	_ =	shalt  }
0x74: {  	_ =	shalt  }
0x75: {  	_ =	shalt  }
0x76: {  	_ =	shalt  }
0x77: {  	_ =	shalt  }
0x78: {  	_ =	shalt  }
0x79: {  	_ =	shalt  }
0x7a: {  	_ =	shalt  }
0x7b: {  	_ =	shalt  }
0x7c: {  	_ =	shalt  }
0x7d: {  	_ =	shalt  }
0x7e: {  	_ =	shalt  }
0x7f: {  	_ =	shalt  }
0x80: {  	_ =	shalt  }
0x81: {  	_ =	shalt  }
0x82: {  	_ =	shalt  }
0x83: {  	_ =	shalt  }
0x84: {  	_ =	shalt  }
0x85: {  	_ =	shalt  }
0x86: {  	_ =	shalt  }
0x87: {  	_ =	shalt  }
.Lfunc_end0:
.L_simem_size_0:
called_computation_lowered:
.L_overlay_start_0:
0x88: {  	s2 =	sld [smem:$0x3FD9]  }
0x89: {  	s3 =	sld [smem:$0x3FFE];
	_ =	sdelay $0x1  }
0x8a: {  	s1 =	srdreg.scid  }
0x8b: {  	s0 =	sand.u32 $0x1, s1  }
0x8c: {  	s18 =	sshll.u32 s0, $0xA;
	s2 =	sadd.s32 s3, s2  }
0x8d: {  	s2 =	sadd.s32 s2, s18  }
0x8e: {  	[smem:$0x3FC6] =	sst s2  }
0x8f: {  	_ = 	snop  }
0x90: {  	s2 =	sld [smem:$0x3FC8]  }
0x91: {  	s19 =	sld [smem:$0x3FD0];
	(tm) =	ssettm $0x1  }
0x92: {  	s4 =	sld [smem:$0x3FFB];
	_ =	sdelay $0x3  }
0x93: {  	_ =	strace s4  }
0x94: {  	s4 =	sld [smem:$0x3FFC];
	_ =	sdelay $0x3  }
0x95: {  	_ =	strace s4  }
0x96: {  	s4 =	sld [smem:$0x3FFD];
	_ =	sdelay $0x3  }
0x97: {  	_ =	strace s4  }
0x98: {  	_ =	strace $0x8FFFFFFF  }
0x99: {  	s20 =	sld [smem:$0x3FDB];
	_ =	sdelay $0x1  }
0x9a: {  	s5 =	simm.s32 $_scs_section_size  }
0x9b: {  	s6 =	simm.s32 $_size__tile_overlayer_lowered;
	s7 =	simm.s32 $_tile_overlayer_lowered  }
0x9c: {  	s23 =	simm.s32 $0x1BFF;
	s22 =	sshll.u32 s7, $0x1;
	s4 =	sadd.s32 s5, s20  }
0x9d: {  	s8 =	simm.s32 $0x0;
	s21 =	sshll.u32 s6, $0x1;
	s6 =	sadd.s32 s22, s4  }
0x9e: {  	[timem:s8], [sflag:s23] =	dma.local [hbm:s6], s21  }
0x9f: {  	_ =	swait.ge [sflag:s23], s21  }
0xa0: {  	s5 =	ssub.s32 $0x0, s21;
	[sflag:s23] =	ssyncset.done $0x0  }
0xa1: {  	[sflag:s23] =	ssyncadd.s32 s5;
	_ =	sdelay $0x1  }
0xa2: {  	s24 =	simm.s32 $0x1B8B  }
0xa3: {  	_ =	swait.ge [sflag:s24], $0x1  }
0xa4: {  	[sflag:s24] =	ssyncset.done $0x0  }
0xa5: {  	s25 =	simm.s32 $0x1B8E;
	[sflag:s24] =	ssyncadd.s32 $0xFFFFFFFF  }
0xa6: {  	s26 =	simm.s32 $execute0_lowered;
	[smem:$0x3FD2] =	sst s25  }
0xa7: {  	s5 =	sshll.u32 s26, $0x1;
	_ =	strace $0x80000046;
	[dreg:$0x1] =	wrdreg $0xFFFFFFFF  }
0xa8: {  	s28 =	simm.s32 $_size_execute0_lowered;
	s4 =	sadd.s32 s4, s5;
	[dreg:$0x0] =	wrdreg $0x0  }
0xa9: {  	s5 =	sshll.u32 s28, $0x1;
	[dreg:$0x2] =	wrdreg s4  }
0xaa: {  	[dreg:$0x3] =	wrdreg s5  }
0xab: {  	[dreg:$0x4] =	wrdreg $0xC0  }
0xac: {  	_ =	task [dreg:s8], $0x5FFFF  }
0xad: {  	[dreg:$0x1] =	wrdreg $0xFFFFFFFF  }
0xae: {  	[dreg:$0x0] =	wrdreg $0x60  }
0xaf: {  	[dreg:$0x2] =	wrdreg s2  }
0xb0: {  	[dreg:$0x3] =	wrdreg s19  }
0xb1: {  	[dreg:$0x4] =	wrdreg $0x9  }
0xb2: {  	_ =	task.clear_ibuf [dreg:s8], $0x5FFFF;
	_ =	strace $0x90000046  }
0xb3: {  	s29 =	simm.s32 $0x9;
	_ =	strace $0x80000048  }
0xb4: {  	_ =	swait.ge [sflag:s29], $0x1  }
0xb5: {  	[sflag:s29] =	ssyncadd.s32 $0xFFFFFFFF  }
0xb6: {  	_ =	strace $0x90000048  }
0xb7: {  	_ =	sfence  }
0xb8: {  	s30 =	sld [smem:$0x0];
	_ =	sdelay $0x2  }
0xb9: {  	s31 =	sshll.u32 s1, $0xD;
	s1 =	sshrl.u32 s1, $0x2  }
0xba: {  	s3 =	sand.u32 $0x4000, s31;
	s1 =	sadd.s32 s1, s30  }
0xbb: {  	s0 =	sor.u32 s3, s0;
	s1 =	sshll.u32 s1, $0x11  }
0xbc: {  	s0 =	sor.u32 s1, s0  }
0xbd: {  	s0 =	sadd.s32 $0x8F2B, s0  }
0xbe: {  	[sflag:s0] =	ssyncadd.remote.s32 $0x1  }
0xbf: {  	_ =	sfence.sel $0xFFFF  }
0xc0: {  	[dreg:$0x0] =	wrdreg $0xFFFFFFFF;
	(pc) =	sbr.abs _section_cstart, $3  }
0xc1: {  	[dreg:$0x1] =	wrdreg $0xFFFFFFFF  }
0xc2: {  	_ =	task.clear_ibuf [dreg:s8], $0x2FFFF;
	_ =	strace $0x9FFFFFFF  }
0xc3: {  	(tm) =	ssettm $0x7FFFFFFF  }
tec
execute0_lowered:
.L_overlay_start_1:
0x0: {  	(tag) =	ssettag $0x1  }
0x1: {  	s4 =	rddreg [dreg:$0x0]  }
0x2: {  	s7 =	rddreg [dreg:$0x1]  }
0x3: {  	s0 =	rddreg [dreg:$0x2];
	s3 =	srdreg.scid  }
0x4: {  	s2 =	simm.s32 $0x0;
	s1 =	stileid.u32;
	s11 =	simm.s32 $0x5  }
0x5: {  	s12 =	simm.s32 $0x0;
	s3 =	sand.u32 $0x1, s3;
	[smem:$0x7FF] =	sst s2  }
0x6: {  	s8 =	sshll.u32 s1, $0x12;
	s9 =	sshll.u32 s3, $0x11;
	_ =	strace $0x80000047  }
0x7: {  	s5 =	ssub.s32 $0x2, s3;
	s10 =	sadd.s32 s8, s4;
	s7 =	sadd.s32 s8, s7  }
0x8: {  	s30 =	sor.u32 s9, s8;
	s6 =	sshrl.u32 s5, $0x1;
	s31 =	sadd.s32 s9, s10  }
0x9: {  	s7 =	sadd.s32 s9, s7;
	s8 =	simm.s32 $0x8000;
	s9 =	simm.s32 $0x6  }
0xa: {  	s10 =	simm.s32 $0x4;
	s3 =	sadd.s32 s4, s30;
	s5 =	ssub.s32 s5, s6  }
0xb: {  	s6 =	sadd.s32 $0x2000, s31;
	s4 =	sadd.s32 $0x1000, s3;
	s5 =	smax.u32 s5, $0x1  }
.LBB2_1:
0xc: {  	s13 =	simm.s32 $0x2  }
0xd: {  	[tilespmem:s2], [sflag:$0x1] =	stream.linear.gather [hbm4b:s3+s2], $0x8000, $0x38;
	[tilespmem:$0x18000] =	vst v63  }
0xe: {  	s13 =	smul.u32 $0xAB, s13  }
0xf: {  	[tilespmem:s8], [sflag:$0x2] =	stream.linear.gather [hbm4b:s4+s2], $0x8000, $0x38;
	[tilespmem:$0x18000] =	vst v63  }
0x10: {  	s14 =	sadd.s32 $0xFFFFFEAA, s13  }
0x11: {  	s14 =	sshrl.u32 s14, $0x9  }
0x12: {  	s14 =	sand.u32 $0x7F, s14  }
0x13: {  	s14 =	smul.u32 $0x3, s14  }
0x14: {  	s13 =	sshrl.u32 s13, $0x9  }
0x15: {  	s13 =	sand.u32 $0x7F, s13;
	s14 =	ssub.s32 $0x0, s14  }
0x16: {  	p0 =	por $0x0, $0x0;
	s13 =	smul.u32 $0x3, s13;
	s14 =	sand.u32 $0xFF, s14  }
0x17: {  	s16 =	simm.s32 $0x4;
	p1 =	por @!p0 $0x1, $0x1;
	s15 =	sadd.s32 $0x1, s14  }
0x18: {  	p1 =	por p1, p0;
	s13 =	ssub.s32 $0x2, s13;
	_ =	swait.ge [sflag:s15], $0x8000  }
0x19: {  	s18 =	sand.u32 $0xFF, s13;
	s31 =	sor.u32 $0x4, s14;
	[sflag:s15] =	ssyncset.done $0x0  }
0x1a: {  	s14 =	sshll.u32 s14, $0xF;
	[sflag:s15] =	ssyncadd.s32 $0xFFFF8000;
	s15 =	simm.s32 $0x3  }
0x1b: {  	[hbm4b:s7+s2] =	stream.linear.scatter [tilespmem:s14], [sflag:s31], $0x8000, $0x38;
	[tilespmem:$0x18000] =	vst v63  }
0x1c: {  	s17 =	smov.u32 s6;
	s20 =	sadd.s32 @!p1 $0x4, s18;
	s19 =	smul.u32 $0xAB, s15  }
0x1d: {  	s13 =	smov.u32 s6;
	s14 =	sadd.s32 $0x1000, s7;
	_ =	swait.ge @!p1 [sflag:s20], $0x8000  }
.LBB2_2:
0x1e: {  	s21 =	sadd.s32 $0xFFFFFEAA, s19  }
0x1f: {  	s13 =	sadd.s32 $0x1000, s13;
	s22 =	smov.u32 s16;
	s16 =	sadd.s32 $0x1, s16  }
0x20: {  	s23 =	simm.s32 @!p0 $0x0;
	s21 =	sshrl.u32 s21, $0x9;
	[sflag:s20] =	ssyncset.done @!p1 $0x0  }
0x21: {  	s24 =	sadd.s32 $0xFFFFFFFE, s15;
	s25 =	sadd.s32 @!p0 $0x1, s18;
	s21 =	sand.u32 $0x7F, s21  }
0x22: {  	s18 =	sshll.u32 @!p0 s18, $0xF;
	s21 =	smul.u32 $0x3, s21;
	[sflag:s20] =	ssyncadd.s32 @!p1 $0xFFFF8000  }
0x23: {  	[tilespmem:s18], [sflag:s25] =	stream.linear.gather @!p0 [hbm4b:s17+s23], $0x8000, $0x38;
	[tilespmem:$0x18000] =	vst v63  }
0x24: {  	p2 =	sne.s32 s16, $0x22;
	s18 =	sshrl.u32 s19, $0x9;
	s17 =	ssub.s32 s24, s21  }
0x25: {  	s18 =	sand.u32 $0x7F, s18;
	s19 =	sand.u32 $0xFF, s17;
	s17 =	smov.u32 s13  }
0x26: {  	p0 =	sgt.u32 s24, $0x1D;
	s18 =	smul.u32 $0x3, s18;
	s20 =	sadd.s32 $0x1, s19  }
0x27: {  	p1 =	seq.s32 @!p0 s15, $0x2;
	_ =	swait.ge [sflag:s20], $0x8000  }
0x28: {  	p1 =	por p1, p0;
	s18 =	ssub.s32 s15, s18;
	[sflag:s20] =	ssyncset.done $0x0  }
.Ltmp0:
0x29: {  	[sflag:s20] =	ssyncadd.s32 $0xFFFF8000;
	s20 =	sor.u32 $0x4, s19;
	(pc) =	sbr.rel @p2 .LBB2_2-.Ltmp0, $4  }
0x2a: {  	s15 =	smov.u32 s22;
	s18 =	sand.u32 $0xFF, s18;
	s19 =	sshll.u32 s19, $0xF  }
0x2b: {  	[hbm4b:s14+s2] =	stream.linear.scatter [tilespmem:s19], [sflag:s20], $0x8000, $0x38;
	[tilespmem:$0x18000] =	vst v63  }
0x2c: {  	s19 =	smul.u32 $0xAB, s15;
	s20 =	sadd.s32 @!p1 $0x4, s18  }
0x2d: {  	s14 =	sadd.s32 $0x1000, s14;
	_ =	swait.ge @!p1 [sflag:s20], $0x8000  }
0x2e: {  	s16 =	sadd.s32 $0xFFFFFEAA, s19;
	[sflag:s20] =	ssyncset.done @!p1 $0x0  }
0x2f: {  	s21 =	simm.s32 @!p0 $0x0;
	s22 =	sadd.s32 $0xFFFFFFFE, s15;
	s16 =	sshrl.u32 s16, $0x9  }
0x30: {  	s23 =	sadd.s32 @!p0 $0x1, s18;
	s18 =	sshll.u32 @!p0 s18, $0xF;
	s16 =	sand.u32 $0x7F, s16  }
0x31: {  	s29 =	sshrl.u32 s19, $0x9;
	[sflag:s20] =	ssyncadd.s32 @!p1 $0xFFFF8000;
	s16 =	smul.u32 $0x3, s16  }
0x32: {  	[tilespmem:s18], [sflag:s23] =	stream.linear.gather @!p0 [hbm4b:s17+s21], $0x8000, $0x38;
	[tilespmem:$0x18000] =	vst v63  }
0x33: {  	s17 =	sand.u32 $0x7F, s29;
	s16 =	ssub.s32 s22, s16  }
0x34: {  	s17 =	smul.u32 $0x3, s17;
	s16 =	sand.u32 $0xFF, s16  }
0x35: {  	p0 =	sgt.u32 s22, $0x1D;
	s30 =	sadd.s32 $0x1, s16  }
0x36: {  	p1 =	seq.s32 @!p0 s15, $0x2;
	s17 =	ssub.s32 s15, s17;
	_ =	swait.ge [sflag:s30], $0x8000  }
0x37: {  	p1 =	por p1, p0;
	s17 =	sand.u32 $0xFF, s17;
	[sflag:s30] =	ssyncset.done $0x0  }
0x38: {  	s31 =	sor.u32 $0x4, s16;
	s16 =	sshll.u32 s16, $0xF;
	[sflag:s30] =	ssyncadd.s32 $0xFFFF8000  }
0x39: {  	[hbm4b:s14+s2] =	stream.linear.scatter [tilespmem:s16], [sflag:s31], $0x8000, $0x38;
	[tilespmem:$0x18000] =	vst v63  }
0x3a: {  	s14 =	sadd.s32 @!p1 $0x4, s17  }
0x3b: {  	_ =	swait.ge @!p1 [sflag:s14], $0x8000  }
0x3c: {  	s13 =	sadd.s32 $0x1000, s13;
	s15 =	simm.s32 @!p0 $0x0;
	[sflag:s14] =	ssyncset.done @!p1 $0x0  }
0x3d: {  	s16 =	sadd.s32 @!p0 $0x1, s17;
	[sflag:s14] =	ssyncadd.s32 @!p1 $0xFFFF8000;
	s14 =	sshll.u32 @!p0 s17, $0xF  }
0x3e: {  	[tilespmem:s14], [sflag:s16] =	stream.linear.gather @!p0 [hbm4b:s13+s15], $0x8000, $0x38;
	[tilespmem:$0x18000] =	vst v63  }
0x3f: {  	_ =	swait.ge [sflag:s9], $0x8000  }
0x40: {  	[sflag:s9] =	ssyncset.done $0x0  }
0x41: {  	s12 =	sadd.s32 $0x1, s12;
	[sflag:s9] =	ssyncadd.s32 $0xFFFF8000  }
0x42: {  	p0 =	sne.s32 s12, s5;
	_ =	swait.ge [sflag:s10], $0x8000  }
.Ltmp1:
0x43: {  	[sflag:s10] =	ssyncset.done $0x0;
	(pc) =	sbr.rel @p0 .LBB2_1-.Ltmp1, $4  }
0x44: {  	[sflag:s10] =	ssyncadd.s32 $0xFFFF8000  }
0x45: {  	_ =	swait.ge [sflag:s11], $0x8000  }
0x46: {  	[sflag:s11] =	ssyncset.done $0x0  }
0x47: {  	[sflag:s11] =	ssyncadd.s32 $0xFFFF8000  }
0x48: {  	_ =	sfence.sel $0x180000  }
0x49: {  	[bflag:$0x0] =	sbarrier.arrive $0xFFFF  }
0x4a: {  	p0 =	sne.s32 s1, $0x0;
	_ =	strace $0x90000047  }
0x4b: {  	s0 =	sadd.s32 @!p0 $0x100000, s0;
	[bflag:$0x2] =	sbarrier.arrive $0xFFFF  }
0x4c: {  	[sflag:s0] =	ssyncadd.tile.s32 @!p0 $0x1;
	_ =	shalt  }
.Lfunc_end2:
_tile_overlayer_lowered:
.L_overlay_start_2:
0x4d: {  	(tag) =	ssettag $0x2  }
0x4e: {  	s0 =	rddreg [dreg:$0x0];
	s2 =	stileid.u32  }
0x4f: {  	s1 =	rddreg [dreg:$0x1];
	p0 =	sne.s32 s2, $0x0  }
0x50: {  	s3 =	rddreg [dreg:$0x2];
	[bflag:$0x3] =	sbarrier.arrive $0xFFFF;
	s2 =	simm.s32 @!p0 $0x1C07  }
0x51: {  	[timem:s3], [sflag:s2] =	dma.local @!p0 [hbm:s0], s1  }
0x52: {  	s0 =	simm.s32 @!p0 $0x7  }
0x53: {  	_ =	swait.ge @!p0 [sflag:s0], s1  }
0x54: {  	s1 =	ssub.s32 @!p0 $0x0, s1;
	[sflag:s0] =	ssyncset.done @!p0 $0x0  }
0x55: {  	[sflag:s0] =	ssyncadd.s32 @!p0 s1  }
0x56: {  	[bflag:$0x3] =	sbarrier.arrive $0xFFFF  }
0x57: {  	_ =	shalt  }

</sc_bundles>
